<compile_context>
chip_gen: v7x
topology: tpu7x:2x2x1
jax: 0.10.2.dev20260603
libtpu: 0.0.44.dev20260713+nightly
codegen_flags: <defaults>
</compile_context>

<pallas_src>
import functools

import jax
import jax.numpy as jnp
from jax import lax
from jax.experimental import pallas as pl
from jax.experimental.pallas import tpu as pltpu
from jax.experimental.pallas import tpu_sc as plsc

HIDDEN_DIM = 128
NUM_ROWS = 1001
BATCH = 16384

_NC = 2
_NS = 16
_NW = _NC * _NS
_BPW = BATCH // _NW
_CH = 128
_NCH = _BPW // _CH
_RPS = 64
_RTL = NUM_ROWS - 15 * _RPS

_mesh = plsc.VectorSubcoreMesh(core_axis_name="c", subcore_axis_name="s")


@functools.partial(
    pl.kernel,
    mesh=_mesh,
    out_type=jax.ShapeDtypeStruct((BATCH, HIDDEN_DIM), jnp.float32),
    scratch_types=[
        pltpu.VMEM((_BPW,), jnp.int32),
        pltpu.VMEM((_BPW, HIDDEN_DIM), jnp.float32),
        pltpu.VMEM_SHARED((NUM_ROWS, HIDDEN_DIM), jnp.float32),
        pltpu.VMEM_SHARED((_NS, 2 * _CH, HIDDEN_DIM), jnp.float32),
        pltpu.SemaphoreType.DMA,
        pltpu.SemaphoreType.DMA,
        pltpu.SemaphoreType.DMA,
        pltpu.SemaphoreType.DMA,
    ],
)
def _embed(labels_hbm, table_hbm, out_hbm, idx_v, rows_v, table_sh, out_sh,
           lsem, gsem, wsem, ssem):
    cid = lax.axis_index("c")
    sid = lax.axis_index("s")
    wid = sid * _NC + cid
    base = wid * _BPW
    lcopy = pltpu.async_copy(labels_hbm.at[pl.ds(base, _BPW)], idx_v, lsem)
    row0 = sid * _RPS

    @pl.when(sid < 15)
    def _stage():
        pltpu.sync_copy(table_hbm.at[pl.ds(row0, _RPS)],
                        table_sh.at[pl.ds(row0, _RPS)])

    @pl.when(sid == 15)
    def _stage_tail():
        pltpu.sync_copy(table_hbm.at[pl.ds(15 * _RPS, _RTL)],
                        table_sh.at[pl.ds(15 * _RPS, _RTL)])

    lcopy.wait()
    plsc.subcore_barrier()
    gathers = []
    for j in range(_NCH):
        gathers.append(
            pltpu.async_copy(
                table_sh.at[idx_v.at[pl.ds(j * _CH, _CH)]],
                rows_v.at[pl.ds(j * _CH, _CH)],
                gsem,
            )
        )
    writes = []
    for j in range(_NCH):
        gathers[j].wait()
        if j % 2 == 0:
            writes.append(
                pltpu.async_copy(
                    rows_v.at[pl.ds(j * _CH, _CH)],
                    out_hbm.at[pl.ds(base + j * _CH, _CH)],
                    wsem,
                )
            )
        else:
            stage = out_sh.at[sid].at[pl.ds((j // 2) * _CH, _CH)]
            pltpu.sync_copy(rows_v.at[pl.ds(j * _CH, _CH)], stage)
            writes.append(
                pltpu.async_copy(
                    stage,
                    out_hbm.at[pl.ds(base + j * _CH, _CH)],
                    ssem,
                )
            )
    for w in writes:
        w.wait()


def kernel(labels, embedding):
    return _embed(labels.astype(jnp.int32), embedding)

# --- scband reference (transcript-rebuilt; emitter-appended) ---
"""Pipeline reference for scband-label-embed-20435454394670 (READ-ONLY COPY).

The authoritative reference and input builder live on the scoring server;
editing this copy changes nothing except your own understanding.
"""

import jax, jax.numpy as jnp
import numpy as np

HIDDEN_DIM = 128
NUM_CLASSES = 1000
BATCH = 16384


def setup_inputs(seed: int = 0) -> dict:
    key = jax.random.key(seed)
    k1, k2 = jax.random.split(key)
    labels = jax.random.randint(k1, (BATCH,), 0, NUM_CLASSES)
    # Embedding table has num_classes + 1 rows (extra row for the CFG 'null' class).
    embedding = jax.random.normal(k2, (NUM_CLASSES + 1, HIDDEN_DIM), dtype=jnp.float32) * 0.02
    return {"labels": labels, "embedding": embedding}


def reference(labels, embedding):
    # Faithful translation of LabelEmbed.__call__ with train=False (deterministic eval path):
    # mask is all-False, so labels pass through unchanged, then embedding lookup.
    mask = jnp.zeros_like(labels, dtype=bool)
    labels = jnp.where(mask, NUM_CLASSES, labels)
    return jnp.take(embedding, labels, axis=0)

if __name__ == "__main__":
    import jax
    _d = setup_inputs()
    print(jax.jit(kernel)(*tuple(_d.values())))

</pallas_src>

<mosaic_0001>
#map = affine_map<(d0, d1) -> (0)>
#map1 = affine_map<(d0, d1) -> (0, 0)>
module attributes {stable_mosaic.version = 14 : i64} {
  func.func @_embed(%arg0: i32, %arg1: i32, %arg2: memref<16384xi32, #tpu.memory_space<hbm>>, %arg3: memref<1001x128xf32, #tpu.memory_space<hbm>>, %arg4: memref<16384x128xf32, #tpu.memory_space<hbm>>, %arg5: memref<512xi32, #tpu.memory_space<vmem>>, %arg6: memref<512x128xf32, #tpu.memory_space<vmem>>, %arg7: memref<1001x128xf32, #tpu.memory_space<vmem_shared>>, %arg8: memref<16x256x128xf32, #tpu.memory_space<vmem_shared>>, %arg9: memref<!tpu.dma_semaphore, #tpu.memory_space<semaphore_mem>>, %arg10: memref<!tpu.dma_semaphore, #tpu.memory_space<semaphore_mem>>, %arg11: memref<!tpu.dma_semaphore, #tpu.memory_space<semaphore_mem>>, %arg12: memref<!tpu.dma_semaphore, #tpu.memory_space<semaphore_mem>>) attributes {dimension_semantics = [#tpu.dimension_semantics<core_parallel>, #tpu.dimension_semantics<subcore_parallel>], iteration_bounds = array<i64: 2, 16>, scalar_prefetch = 0 : i64, scratch_operands = 8 : i64, tpu.core_type = #tpu.core_type<sc_vector_subcore>, window_params = [{transform_indices = #map}, {transform_indices = #map1}, {transform_indices = #map1}]} {
    %mul3A = arith.constant 2 : i32
    %mul3A_0 = arith.muli %arg1, %mul3A : i32
    %add3A = arith.addi %mul3A_0, %arg0 : i32
    %mul3A_1 = arith.constant 512 : i32
    %mul3A_2 = arith.muli %add3A, %mul3A_1 : i32
    %dma_start3A = tpu.memref_slice %arg2[%mul3A_2] : memref<16384xi32, #tpu.memory_space<hbm>> -> memref<512xi32, #tpu.memory_space<hbm>>
    %dma_start3A_3 = tpu.memref_slice %arg2[%mul3A_2] : memref<16384xi32, #tpu.memory_space<hbm>> -> memref<512xi32, #tpu.memory_space<hbm>>
    tpu.enqueue_dma source(%dma_start3A_3 : memref<512xi32, #tpu.memory_space<hbm>>) target(%arg5 : memref<512xi32, #tpu.memory_space<vmem>>) target_semaphore(%arg9 : memref<!tpu.dma_semaphore, #tpu.memory_space<semaphore_mem>>)
    %mul3A_4 = arith.constant 64 : i32
    %mul3A_5 = arith.muli %arg1, %mul3A_4 : i32
    %lt3A = arith.constant 15 : i32
    %lt3A_6 = arith.cmpi slt, %arg1, %lt3A : i32
    %convert_element_type3A = arith.extui %lt3A_6 : i1 to i32
    %cond3A = arith.constant 0 : i32
    %cond3A_7 = arith.cmpi ne, %convert_element_type3A, %cond3A : i32
    scf.if %cond3A_7 {
      "tpu.region"() ({
        %run_scoped3A = tpu.sem_alloc : memref<!tpu.dma_semaphore, #tpu.memory_space<semaphore_mem>>
        %dma_start3A_161 = arith.constant 0 : i32
        %dma_start3A_162 = tpu.memref_slice %arg7[%mul3A_5, %dma_start3A_161] : memref<1001x128xf32, #tpu.memory_space<vmem_shared>> -> memref<64x128xf32, #tpu.memory_space<vmem_shared>>
        %dma_start3A_163 = arith.constant 0 : i32
        %dma_start3A_164 = tpu.memref_slice %arg3[%mul3A_5, %dma_start3A_163] : memref<1001x128xf32, #tpu.memory_space<hbm>> -> memref<64x128xf32, #tpu.memory_space<hbm>>
        tpu.enqueue_dma source(%dma_start3A_164 : memref<64x128xf32, #tpu.memory_space<hbm>>) target(%dma_start3A_162 : memref<64x128xf32, #tpu.memory_space<vmem_shared>>) target_semaphore(%run_scoped3A : memref<!tpu.dma_semaphore, #tpu.memory_space<semaphore_mem>>)
        %dma_wait3A_165 = arith.constant 0 : i32
        %dma_wait3A_166 = tpu.memref_slice %arg7[%mul3A_5, %dma_wait3A_165] : memref<1001x128xf32, #tpu.memory_space<vmem_shared>> -> memref<64x128xf32, #tpu.memory_space<vmem_shared>>
        %dma_wait3A_167 = arith.constant 0 : i32
        %dma_wait3A_168 = tpu.memref_slice %arg3[%mul3A_5, %dma_wait3A_167] : memref<1001x128xf32, #tpu.memory_space<hbm>> -> memref<64x128xf32, #tpu.memory_space<hbm>>
        tpu.wait_dma2 semaphore(%run_scoped3A : memref<!tpu.dma_semaphore, #tpu.memory_space<semaphore_mem>>) src(%dma_wait3A_168 : memref<64x128xf32, #tpu.memory_space<hbm>>) dst(%dma_wait3A_166 : memref<64x128xf32, #tpu.memory_space<vmem_shared>>)
        tpu.yield
      }) : () -> ()
    } else {
    }
    %eq3A = arith.constant 15 : i32
    %eq3A_8 = arith.cmpi eq, %arg1, %eq3A : i32
    %convert_element_type3A_9 = arith.extui %eq3A_8 : i1 to i32
    %cond3A_10 = arith.constant 0 : i32
    %cond3A_11 = arith.cmpi ne, %convert_element_type3A_9, %cond3A_10 : i32
    scf.if %cond3A_11 {
      "tpu.region"() ({
        %run_scoped3A = tpu.sem_alloc : memref<!tpu.dma_semaphore, #tpu.memory_space<semaphore_mem>>
        %dma_start3A_161 = arith.constant 960 : i32
        %dma_start3A_162 = arith.constant 0 : i32
        %dma_start3A_163 = tpu.memref_slice %arg7[%dma_start3A_161, %dma_start3A_162] : memref<1001x128xf32, #tpu.memory_space<vmem_shared>> -> memref<41x128xf32, #tpu.memory_space<vmem_shared>>
        %dma_start3A_164 = arith.constant 960 : i32
        %dma_start3A_165 = arith.constant 0 : i32
        %dma_start3A_166 = tpu.memref_slice %arg3[%dma_start3A_164, %dma_start3A_165] : memref<1001x128xf32, #tpu.memory_space<hbm>> -> memref<41x128xf32, #tpu.memory_space<hbm>>
        tpu.enqueue_dma source(%dma_start3A_166 : memref<41x128xf32, #tpu.memory_space<hbm>>) target(%dma_start3A_163 : memref<41x128xf32, #tpu.memory_space<vmem_shared>>) target_semaphore(%run_scoped3A : memref<!tpu.dma_semaphore, #tpu.memory_space<semaphore_mem>>)
        %dma_wait3A_167 = arith.constant 960 : i32
        %dma_wait3A_168 = arith.constant 0 : i32
        %dma_wait3A_169 = tpu.memref_slice %arg7[%dma_wait3A_167, %dma_wait3A_168] : memref<1001x128xf32, #tpu.memory_space<vmem_shared>> -> memref<41x128xf32, #tpu.memory_space<vmem_shared>>
        %dma_wait3A_170 = arith.constant 960 : i32
        %dma_wait3A_171 = arith.constant 0 : i32
        %dma_wait3A_172 = tpu.memref_slice %arg3[%dma_wait3A_170, %dma_wait3A_171] : memref<1001x128xf32, #tpu.memory_space<hbm>> -> memref<41x128xf32, #tpu.memory_space<hbm>>
        tpu.wait_dma2 semaphore(%run_scoped3A : memref<!tpu.dma_semaphore, #tpu.memory_space<semaphore_mem>>) src(%dma_wait3A_172 : memref<41x128xf32, #tpu.memory_space<hbm>>) dst(%dma_wait3A_169 : memref<41x128xf32, #tpu.memory_space<vmem_shared>>)
        tpu.yield
      }) : () -> ()
    } else {
    }
    %dma_wait3A = tpu.memref_slice %arg2[%mul3A_2] : memref<16384xi32, #tpu.memory_space<hbm>> -> memref<512xi32, #tpu.memory_space<hbm>>
    %dma_wait3A_12 = tpu.memref_slice %arg2[%mul3A_2] : memref<16384xi32, #tpu.memory_space<hbm>> -> memref<512xi32, #tpu.memory_space<hbm>>
    tpu.wait_dma2 semaphore(%arg9 : memref<!tpu.dma_semaphore, #tpu.memory_space<semaphore_mem>>) src(%dma_wait3A_12 : memref<512xi32, #tpu.memory_space<hbm>>) dst(%arg5 : memref<512xi32, #tpu.memory_space<vmem>>)
    %barrier3A = arith.constant 0 : index
    tpu.barrier barrier_id(%barrier3A)
    %dma_start3A_13 = arith.constant 0 : i32
    %dma_start3A_14 = arith.constant 0 : i32
    %dma_start3A_15 = tpu.memref_slice %arg6[%dma_start3A_13, %dma_start3A_14] : memref<512x128xf32, #tpu.memory_space<vmem>> -> memref<128x128xf32, #tpu.memory_space<vmem>>
    %dma_start3A_16 = arith.constant 0 : i32
    %dma_start3A_17 = tpu.memref_slice %arg5[%dma_start3A_16] : memref<512xi32, #tpu.memory_space<vmem>> -> memref<128xi32, #tpu.memory_space<vmem>>
    %dma_start3A_18 = arith.constant 0 : i32
    %dma_start3A_19 = arith.constant 0 : i32
    %dma_start3A_20 = tpu.memref_slice %arg7[%dma_start3A_18, %dma_start3A_19] : memref<1001x128xf32, #tpu.memory_space<vmem_shared>> -> memref<1001x128xf32, #tpu.memory_space<vmem_shared>>
    tpu.enqueue_indirect_dma source(%dma_start3A_20 : memref<1001x128xf32, #tpu.memory_space<vmem_shared>>) target(%dma_start3A_15 : memref<128x128xf32, #tpu.memory_space<vmem>>) offsets(%dma_start3A_17 : memref<128xi32, #tpu.memory_space<vmem>>) semaphore(%arg10 : memref<!tpu.dma_semaphore, #tpu.memory_space<semaphore_mem>>)
    %dma_start3A_21 = arith.constant 128 : i32
    %dma_start3A_22 = arith.constant 0 : i32
    %dma_start3A_23 = tpu.memref_slice %arg6[%dma_start3A_21, %dma_start3A_22] : memref<512x128xf32, #tpu.memory_space<vmem>> -> memref<128x128xf32, #tpu.memory_space<vmem>>
    %dma_start3A_24 = arith.constant 128 : i32
    %dma_start3A_25 = tpu.memref_slice %arg5[%dma_start3A_24] : memref<512xi32, #tpu.memory_space<vmem>> -> memref<128xi32, #tpu.memory_space<vmem>>
    %dma_start3A_26 = arith.constant 0 : i32
    %dma_start3A_27 = arith.constant 0 : i32
    %dma_start3A_28 = tpu.memref_slice %arg7[%dma_start3A_26, %dma_start3A_27] : memref<1001x128xf32, #tpu.memory_space<vmem_shared>> -> memref<1001x128xf32, #tpu.memory_space<vmem_shared>>
    tpu.enqueue_indirect_dma source(%dma_start3A_28 : memref<1001x128xf32, #tpu.memory_space<vmem_shared>>) target(%dma_start3A_23 : memref<128x128xf32, #tpu.memory_space<vmem>>) offsets(%dma_start3A_25 : memref<128xi32, #tpu.memory_space<vmem>>) semaphore(%arg10 : memref<!tpu.dma_semaphore, #tpu.memory_space<semaphore_mem>>)
    %dma_start3A_29 = arith.constant 256 : i32
    %dma_start3A_30 = arith.constant 0 : i32
    %dma_start3A_31 = tpu.memref_slice %arg6[%dma_start3A_29, %dma_start3A_30] : memref<512x128xf32, #tpu.memory_space<vmem>> -> memref<128x128xf32, #tpu.memory_space<vmem>>
    %dma_start3A_32 = arith.constant 256 : i32
    %dma_start3A_33 = tpu.memref_slice %arg5[%dma_start3A_32] : memref<512xi32, #tpu.memory_space<vmem>> -> memref<128xi32, #tpu.memory_space<vmem>>
    %dma_start3A_34 = arith.constant 0 : i32
    %dma_start3A_35 = arith.constant 0 : i32
    %dma_start3A_36 = tpu.memref_slice %arg7[%dma_start3A_34, %dma_start3A_35] : memref<1001x128xf32, #tpu.memory_space<vmem_shared>> -> memref<1001x128xf32, #tpu.memory_space<vmem_shared>>
    tpu.enqueue_indirect_dma source(%dma_start3A_36 : memref<1001x128xf32, #tpu.memory_space<vmem_shared>>) target(%dma_start3A_31 : memref<128x128xf32, #tpu.memory_space<vmem>>) offsets(%dma_start3A_33 : memref<128xi32, #tpu.memory_space<vmem>>) semaphore(%arg10 : memref<!tpu.dma_semaphore, #tpu.memory_space<semaphore_mem>>)
    %dma_start3A_37 = arith.constant 384 : i32
    %dma_start3A_38 = arith.constant 0 : i32
    %dma_start3A_39 = tpu.memref_slice %arg6[%dma_start3A_37, %dma_start3A_38] : memref<512x128xf32, #tpu.memory_space<vmem>> -> memref<128x128xf32, #tpu.memory_space<vmem>>
    %dma_start3A_40 = arith.constant 384 : i32
    %dma_start3A_41 = tpu.memref_slice %arg5[%dma_start3A_40] : memref<512xi32, #tpu.memory_space<vmem>> -> memref<128xi32, #tpu.memory_space<vmem>>
    %dma_start3A_42 = arith.constant 0 : i32
    %dma_start3A_43 = arith.constant 0 : i32
    %dma_start3A_44 = tpu.memref_slice %arg7[%dma_start3A_42, %dma_start3A_43] : memref<1001x128xf32, #tpu.memory_space<vmem_shared>> -> memref<1001x128xf32, #tpu.memory_space<vmem_shared>>
    tpu.enqueue_indirect_dma source(%dma_start3A_44 : memref<1001x128xf32, #tpu.memory_space<vmem_shared>>) target(%dma_start3A_39 : memref<128x128xf32, #tpu.memory_space<vmem>>) offsets(%dma_start3A_41 : memref<128xi32, #tpu.memory_space<vmem>>) semaphore(%arg10 : memref<!tpu.dma_semaphore, #tpu.memory_space<semaphore_mem>>)
    %dma_wait3A_45 = arith.constant 0 : i32
    %dma_wait3A_46 = arith.constant 0 : i32
    %dma_wait3A_47 = tpu.memref_slice %arg6[%dma_wait3A_45, %dma_wait3A_46] : memref<512x128xf32, #tpu.memory_space<vmem>> -> memref<128x128xf32, #tpu.memory_space<vmem>>
    %dma_wait3A_48 = arith.constant 0 : i32
    %dma_wait3A_49 = tpu.memref_slice %arg5[%dma_wait3A_48] : memref<512xi32, #tpu.memory_space<vmem>> -> memref<128xi32, #tpu.memory_space<vmem>>
    %dma_wait3A_50 = arith.constant 0 : i32
    %dma_wait3A_51 = arith.constant 0 : i32
    %dma_wait3A_52 = tpu.memref_slice %arg7[%dma_wait3A_50, %dma_wait3A_51] : memref<1001x128xf32, #tpu.memory_space<vmem_shared>> -> memref<1001x128xf32, #tpu.memory_space<vmem_shared>>
    tpu.wait_indirect_dma semaphore(%arg10 : memref<!tpu.dma_semaphore, #tpu.memory_space<semaphore_mem>>) src(%dma_wait3A_52 : memref<1001x128xf32, #tpu.memory_space<vmem_shared>>) dst(%dma_wait3A_47 : memref<128x128xf32, #tpu.memory_space<vmem>>)
    %add3A_53 = arith.constant 0 : i32
    %add3A_54 = arith.addi %mul3A_2, %add3A_53 : i32
    %dma_start3A_55 = arith.constant 0 : i32
    %dma_start3A_56 = arith.constant 0 : i32
    %dma_start3A_57 = tpu.memref_slice %arg6[%dma_start3A_55, %dma_start3A_56] : memref<512x128xf32, #tpu.memory_space<vmem>> -> memref<128x128xf32, #tpu.memory_space<vmem>>
    %dma_start3A_58 = arith.constant 0 : i32
    %dma_start3A_59 = tpu.memref_slice %arg4[%add3A_54, %dma_start3A_58] : memref<16384x128xf32, #tpu.memory_space<hbm>> -> memref<128x128xf32, #tpu.memory_space<hbm>>
    %dma_start3A_60 = arith.constant 0 : i32
    %dma_start3A_61 = tpu.memref_slice %arg4[%add3A_54, %dma_start3A_60] : memref<16384x128xf32, #tpu.memory_space<hbm>> -> memref<128x128xf32, #tpu.memory_space<hbm>>
    %dma_start3A_62 = arith.constant 0 : i32
    %dma_start3A_63 = arith.constant 0 : i32
    %dma_start3A_64 = tpu.memref_slice %arg6[%dma_start3A_62, %dma_start3A_63] : memref<512x128xf32, #tpu.memory_space<vmem>> -> memref<128x128xf32, #tpu.memory_space<vmem>>
    tpu.enqueue_dma source(%dma_start3A_64 : memref<128x128xf32, #tpu.memory_space<vmem>>) target(%dma_start3A_61 : memref<128x128xf32, #tpu.memory_space<hbm>>) target_semaphore(%arg11 : memref<!tpu.dma_semaphore, #tpu.memory_space<semaphore_mem>>)
    %dma_wait3A_65 = arith.constant 128 : i32
    %dma_wait3A_66 = arith.constant 0 : i32
    %dma_wait3A_67 = tpu.memref_slice %arg6[%dma_wait3A_65, %dma_wait3A_66] : memref<512x128xf32, #tpu.memory_space<vmem>> -> memref<128x128xf32, #tpu.memory_space<vmem>>
    %dma_wait3A_68 = arith.constant 128 : i32
    %dma_wait3A_69 = tpu.memref_slice %arg5[%dma_wait3A_68] : memref<512xi32, #tpu.memory_space<vmem>> -> memref<128xi32, #tpu.memory_space<vmem>>
    %dma_wait3A_70 = arith.constant 0 : i32
    %dma_wait3A_71 = arith.constant 0 : i32
    %dma_wait3A_72 = tpu.memref_slice %arg7[%dma_wait3A_70, %dma_wait3A_71] : memref<1001x128xf32, #tpu.memory_space<vmem_shared>> -> memref<1001x128xf32, #tpu.memory_space<vmem_shared>>
    tpu.wait_indirect_dma semaphore(%arg10 : memref<!tpu.dma_semaphore, #tpu.memory_space<semaphore_mem>>) src(%dma_wait3A_72 : memref<1001x128xf32, #tpu.memory_space<vmem_shared>>) dst(%dma_wait3A_67 : memref<128x128xf32, #tpu.memory_space<vmem>>)
    "tpu.region"() ({
      %run_scoped3A = tpu.sem_alloc : memref<!tpu.dma_semaphore, #tpu.memory_space<semaphore_mem>>
      %dma_start3A_161 = arith.constant 128 : i32
      %dma_start3A_162 = arith.constant 0 : i32
      %dma_start3A_163 = tpu.memref_slice %arg6[%dma_start3A_161, %dma_start3A_162] : memref<512x128xf32, #tpu.memory_space<vmem>> -> memref<128x128xf32, #tpu.memory_space<vmem>>
      %dma_start3A_164 = arith.constant 0 : i32
      %dma_start3A_165 = arith.constant 0 : i32
      %dma_start3A_166 = tpu.memref_slice %arg8[%arg1, %dma_start3A_164, %dma_start3A_165] : memref<16x256x128xf32, #tpu.memory_space<vmem_shared>> -> memref<1x256x128xf32, #tpu.memory_space<vmem_shared>>
      %dma_start3A_167 = tpu.memref_squeeze %dma_start3A_166 : memref<1x256x128xf32, #tpu.memory_space<vmem_shared>> -> memref<256x128xf32, #tpu.memory_space<vmem_shared>>
      %dma_start3A_168 = arith.constant 0 : i32
      %dma_start3A_169 = arith.constant 0 : i32
      %dma_start3A_170 = tpu.memref_slice %dma_start3A_167[%dma_start3A_168, %dma_start3A_169] : memref<256x128xf32, #tpu.memory_space<vmem_shared>> -> memref<128x128xf32, #tpu.memory_space<vmem_shared>>
      %dma_start3A_171 = arith.constant 0 : i32
      %dma_start3A_172 = arith.constant 0 : i32
      %dma_start3A_173 = tpu.memref_slice %arg8[%arg1, %dma_start3A_171, %dma_start3A_172] : memref<16x256x128xf32, #tpu.memory_space<vmem_shared>> -> memref<1x256x128xf32, #tpu.memory_space<vmem_shared>>
      %dma_start3A_174 = tpu.memref_squeeze %dma_start3A_173 : memref<1x256x128xf32, #tpu.memory_space<vmem_shared>> -> memref<256x128xf32, #tpu.memory_space<vmem_shared>>
      %dma_start3A_175 = arith.constant 0 : i32
      %dma_start3A_176 = arith.constant 0 : i32
      %dma_start3A_177 = tpu.memref_slice %dma_start3A_174[%dma_start3A_175, %dma_start3A_176] : memref<256x128xf32, #tpu.memory_space<vmem_shared>> -> memref<128x128xf32, #tpu.memory_space<vmem_shared>>
      %dma_start3A_178 = arith.constant 128 : i32
      %dma_start3A_179 = arith.constant 0 : i32
      %dma_start3A_180 = tpu.memref_slice %arg6[%dma_start3A_178, %dma_start3A_179] : memref<512x128xf32, #tpu.memory_space<vmem>> -> memref<128x128xf32, #tpu.memory_space<vmem>>
      tpu.enqueue_dma source(%dma_start3A_180 : memref<128x128xf32, #tpu.memory_space<vmem>>) target(%dma_start3A_177 : memref<128x128xf32, #tpu.memory_space<vmem_shared>>) target_semaphore(%run_scoped3A : memref<!tpu.dma_semaphore, #tpu.memory_space<semaphore_mem>>)
      %dma_wait3A_181 = arith.constant 128 : i32
      %dma_wait3A_182 = arith.constant 0 : i32
      %dma_wait3A_183 = tpu.memref_slice %arg6[%dma_wait3A_181, %dma_wait3A_182] : memref<512x128xf32, #tpu.memory_space<vmem>> -> memref<128x128xf32, #tpu.memory_space<vmem>>
      %dma_wait3A_184 = arith.constant 0 : i32
      %dma_wait3A_185 = arith.constant 0 : i32
      %dma_wait3A_186 = tpu.memref_slice %arg8[%arg1, %dma_wait3A_184, %dma_wait3A_185] : memref<16x256x128xf32, #tpu.memory_space<vmem_shared>> -> memref<1x256x128xf32, #tpu.memory_space<vmem_shared>>
      %dma_wait3A_187 = tpu.memref_squeeze %dma_wait3A_186 : memref<1x256x128xf32, #tpu.memory_space<vmem_shared>> -> memref<256x128xf32, #tpu.memory_space<vmem_shared>>
      %dma_wait3A_188 = arith.constant 0 : i32
      %dma_wait3A_189 = arith.constant 0 : i32
      %dma_wait3A_190 = tpu.memref_slice %dma_wait3A_187[%dma_wait3A_188, %dma_wait3A_189] : memref<256x128xf32, #tpu.memory_space<vmem_shared>> -> memref<128x128xf32, #tpu.memory_space<vmem_shared>>
      %dma_wait3A_191 = arith.constant 0 : i32
      %dma_wait3A_192 = arith.constant 0 : i32
      %dma_wait3A_193 = tpu.memref_slice %arg8[%arg1, %dma_wait3A_191, %dma_wait3A_192] : memref<16x256x128xf32, #tpu.memory_space<vmem_shared>> -> memref<1x256x128xf32, #tpu.memory_space<vmem_shared>>
      %dma_wait3A_194 = tpu.memref_squeeze %dma_wait3A_193 : memref<1x256x128xf32, #tpu.memory_space<vmem_shared>> -> memref<256x128xf32, #tpu.memory_space<vmem_shared>>
      %dma_wait3A_195 = arith.constant 0 : i32
      %dma_wait3A_196 = arith.constant 0 : i32
      %dma_wait3A_197 = tpu.memref_slice %dma_wait3A_194[%dma_wait3A_195, %dma_wait3A_196] : memref<256x128xf32, #tpu.memory_space<vmem_shared>> -> memref<128x128xf32, #tpu.memory_space<vmem_shared>>
      %dma_wait3A_198 = arith.constant 128 : i32
      %dma_wait3A_199 = arith.constant 0 : i32
      %dma_wait3A_200 = tpu.memref_slice %arg6[%dma_wait3A_198, %dma_wait3A_199] : memref<512x128xf32, #tpu.memory_space<vmem>> -> memref<128x128xf32, #tpu.memory_space<vmem>>
      tpu.wait_dma2 semaphore(%run_scoped3A : memref<!tpu.dma_semaphore, #tpu.memory_space<semaphore_mem>>) src(%dma_wait3A_200 : memref<128x128xf32, #tpu.memory_space<vmem>>) dst(%dma_wait3A_197 : memref<128x128xf32, #tpu.memory_space<vmem_shared>>)
      tpu.yield
    }) : () -> ()
    %add3A_73 = arith.constant 128 : i32
    %add3A_74 = arith.addi %mul3A_2, %add3A_73 : i32
    %dma_start3A_75 = arith.constant 0 : i32
    %dma_start3A_76 = tpu.memref_slice %arg4[%add3A_74, %dma_start3A_75] : memref<16384x128xf32, #tpu.memory_space<hbm>> -> memref<128x128xf32, #tpu.memory_space<hbm>>
    %dma_start3A_77 = arith.constant 0 : i32
    %dma_start3A_78 = arith.constant 0 : i32
    %dma_start3A_79 = tpu.memref_slice %arg8[%arg1, %dma_start3A_77, %dma_start3A_78] : memref<16x256x128xf32, #tpu.memory_space<vmem_shared>> -> memref<1x256x128xf32, #tpu.memory_space<vmem_shared>>
    %dma_start3A_80 = tpu.memref_squeeze %dma_start3A_79 : memref<1x256x128xf32, #tpu.memory_space<vmem_shared>> -> memref<256x128xf32, #tpu.memory_space<vmem_shared>>
    %dma_start3A_81 = arith.constant 0 : i32
    %dma_start3A_82 = arith.constant 0 : i32
    %dma_start3A_83 = tpu.memref_slice %dma_start3A_80[%dma_start3A_81, %dma_start3A_82] : memref<256x128xf32, #tpu.memory_space<vmem_shared>> -> memref<128x128xf32, #tpu.memory_space<vmem_shared>>
    tpu.enqueue_dma source(%dma_start3A_83 : memref<128x128xf32, #tpu.memory_space<vmem_shared>>) target(%dma_start3A_76 : memref<128x128xf32, #tpu.memory_space<hbm>>) target_semaphore(%arg12 : memref<!tpu.dma_semaphore, #tpu.memory_space<semaphore_mem>>)
    %dma_wait3A_84 = arith.constant 256 : i32
    %dma_wait3A_85 = arith.constant 0 : i32
    %dma_wait3A_86 = tpu.memref_slice %arg6[%dma_wait3A_84, %dma_wait3A_85] : memref<512x128xf32, #tpu.memory_space<vmem>> -> memref<128x128xf32, #tpu.memory_space<vmem>>
    %dma_wait3A_87 = arith.constant 256 : i32
    %dma_wait3A_88 = tpu.memref_slice %arg5[%dma_wait3A_87] : memref<512xi32, #tpu.memory_space<vmem>> -> memref<128xi32, #tpu.memory_space<vmem>>
    %dma_wait3A_89 = arith.constant 0 : i32
    %dma_wait3A_90 = arith.constant 0 : i32
    %dma_wait3A_91 = tpu.memref_slice %arg7[%dma_wait3A_89, %dma_wait3A_90] : memref<1001x128xf32, #tpu.memory_space<vmem_shared>> -> memref<1001x128xf32, #tpu.memory_space<vmem_shared>>
    tpu.wait_indirect_dma semaphore(%arg10 : memref<!tpu.dma_semaphore, #tpu.memory_space<semaphore_mem>>) src(%dma_wait3A_91 : memref<1001x128xf32, #tpu.memory_space<vmem_shared>>) dst(%dma_wait3A_86 : memref<128x128xf32, #tpu.memory_space<vmem>>)
    %add3A_92 = arith.constant 256 : i32
    %add3A_93 = arith.addi %mul3A_2, %add3A_92 : i32
    %dma_start3A_94 = arith.constant 256 : i32
    %dma_start3A_95 = arith.constant 0 : i32
    %dma_start3A_96 = tpu.memref_slice %arg6[%dma_start3A_94, %dma_start3A_95] : memref<512x128xf32, #tpu.memory_space<vmem>> -> memref<128x128xf32, #tpu.memory_space<vmem>>
    %dma_start3A_97 = arith.constant 0 : i32
    %dma_start3A_98 = tpu.memref_slice %arg4[%add3A_93, %dma_start3A_97] : memref<16384x128xf32, #tpu.memory_space<hbm>> -> memref<128x128xf32, #tpu.memory_space<hbm>>
    %dma_start3A_99 = arith.constant 0 : i32
    %dma_start3A_100 = tpu.memref_slice %arg4[%add3A_93, %dma_start3A_99] : memref<16384x128xf32, #tpu.memory_space<hbm>> -> memref<128x128xf32, #tpu.memory_space<hbm>>
    %dma_start3A_101 = arith.constant 256 : i32
    %dma_start3A_102 = arith.constant 0 : i32
    %dma_start3A_103 = tpu.memref_slice %arg6[%dma_start3A_101, %dma_start3A_102] : memref<512x128xf32, #tpu.memory_space<vmem>> -> memref<128x128xf32, #tpu.memory_space<vmem>>
    tpu.enqueue_dma source(%dma_start3A_103 : memref<128x128xf32, #tpu.memory_space<vmem>>) target(%dma_start3A_100 : memref<128x128xf32, #tpu.memory_space<hbm>>) target_semaphore(%arg11 : memref<!tpu.dma_semaphore, #tpu.memory_space<semaphore_mem>>)
    %dma_wait3A_104 = arith.constant 384 : i32
    %dma_wait3A_105 = arith.constant 0 : i32
    %dma_wait3A_106 = tpu.memref_slice %arg6[%dma_wait3A_104, %dma_wait3A_105] : memref<512x128xf32, #tpu.memory_space<vmem>> -> memref<128x128xf32, #tpu.memory_space<vmem>>
    %dma_wait3A_107 = arith.constant 384 : i32
    %dma_wait3A_108 = tpu.memref_slice %arg5[%dma_wait3A_107] : memref<512xi32, #tpu.memory_space<vmem>> -> memref<128xi32, #tpu.memory_space<vmem>>
    %dma_wait3A_109 = arith.constant 0 : i32
    %dma_wait3A_110 = arith.constant 0 : i32
    %dma_wait3A_111 = tpu.memref_slice %arg7[%dma_wait3A_109, %dma_wait3A_110] : memref<1001x128xf32, #tpu.memory_space<vmem_shared>> -> memref<1001x128xf32, #tpu.memory_space<vmem_shared>>
    tpu.wait_indirect_dma semaphore(%arg10 : memref<!tpu.dma_semaphore, #tpu.memory_space<semaphore_mem>>) src(%dma_wait3A_111 : memref<1001x128xf32, #tpu.memory_space<vmem_shared>>) dst(%dma_wait3A_106 : memref<128x128xf32, #tpu.memory_space<vmem>>)
    "tpu.region"() ({
      %run_scoped3A = tpu.sem_alloc : memref<!tpu.dma_semaphore, #tpu.memory_space<semaphore_mem>>
      %dma_start3A_161 = arith.constant 384 : i32
      %dma_start3A_162 = arith.constant 0 : i32
      %dma_start3A_163 = tpu.memref_slice %arg6[%dma_start3A_161, %dma_start3A_162] : memref<512x128xf32, #tpu.memory_space<vmem>> -> memref<128x128xf32, #tpu.memory_space<vmem>>
      %dma_start3A_164 = arith.constant 0 : i32
      %dma_start3A_165 = arith.constant 0 : i32
      %dma_start3A_166 = tpu.memref_slice %arg8[%arg1, %dma_start3A_164, %dma_start3A_165] : memref<16x256x128xf32, #tpu.memory_space<vmem_shared>> -> memref<1x256x128xf32, #tpu.memory_space<vmem_shared>>
      %dma_start3A_167 = tpu.memref_squeeze %dma_start3A_166 : memref<1x256x128xf32, #tpu.memory_space<vmem_shared>> -> memref<256x128xf32, #tpu.memory_space<vmem_shared>>
      %dma_start3A_168 = arith.constant 128 : i32
      %dma_start3A_169 = arith.constant 0 : i32
      %dma_start3A_170 = tpu.memref_slice %dma_start3A_167[%dma_start3A_168, %dma_start3A_169] : memref<256x128xf32, #tpu.memory_space<vmem_shared>> -> memref<128x128xf32, #tpu.memory_space<vmem_shared>>
      %dma_start3A_171 = arith.constant 0 : i32
      %dma_start3A_172 = arith.constant 0 : i32
      %dma_start3A_173 = tpu.memref_slice %arg8[%arg1, %dma_start3A_171, %dma_start3A_172] : memref<16x256x128xf32, #tpu.memory_space<vmem_shared>> -> memref<1x256x128xf32, #tpu.memory_space<vmem_shared>>
      %dma_start3A_174 = tpu.memref_squeeze %dma_start3A_173 : memref<1x256x128xf32, #tpu.memory_space<vmem_shared>> -> memref<256x128xf32, #tpu.memory_space<vmem_shared>>
      %dma_start3A_175 = arith.constant 128 : i32
      %dma_start3A_176 = arith.constant 0 : i32
      %dma_start3A_177 = tpu.memref_slice %dma_start3A_174[%dma_start3A_175, %dma_start3A_176] : memref<256x128xf32, #tpu.memory_space<vmem_shared>> -> memref<128x128xf32, #tpu.memory_space<vmem_shared>>
      %dma_start3A_178 = arith.constant 384 : i32
      %dma_start3A_179 = arith.constant 0 : i32
      %dma_start3A_180 = tpu.memref_slice %arg6[%dma_start3A_178, %dma_start3A_179] : memref<512x128xf32, #tpu.memory_space<vmem>> -> memref<128x128xf32, #tpu.memory_space<vmem>>
      tpu.enqueue_dma source(%dma_start3A_180 : memref<128x128xf32, #tpu.memory_space<vmem>>) target(%dma_start3A_177 : memref<128x128xf32, #tpu.memory_space<vmem_shared>>) target_semaphore(%run_scoped3A : memref<!tpu.dma_semaphore, #tpu.memory_space<semaphore_mem>>)
      %dma_wait3A_181 = arith.constant 384 : i32
      %dma_wait3A_182 = arith.constant 0 : i32
      %dma_wait3A_183 = tpu.memref_slice %arg6[%dma_wait3A_181, %dma_wait3A_182] : memref<512x128xf32, #tpu.memory_space<vmem>> -> memref<128x128xf32, #tpu.memory_space<vmem>>
      %dma_wait3A_184 = arith.constant 0 : i32
      %dma_wait3A_185 = arith.constant 0 : i32
      %dma_wait3A_186 = tpu.memref_slice %arg8[%arg1, %dma_wait3A_184, %dma_wait3A_185] : memref<16x256x128xf32, #tpu.memory_space<vmem_shared>> -> memref<1x256x128xf32, #tpu.memory_space<vmem_shared>>
      %dma_wait3A_187 = tpu.memref_squeeze %dma_wait3A_186 : memref<1x256x128xf32, #tpu.memory_space<vmem_shared>> -> memref<256x128xf32, #tpu.memory_space<vmem_shared>>
      %dma_wait3A_188 = arith.constant 128 : i32
      %dma_wait3A_189 = arith.constant 0 : i32
      %dma_wait3A_190 = tpu.memref_slice %dma_wait3A_187[%dma_wait3A_188, %dma_wait3A_189] : memref<256x128xf32, #tpu.memory_space<vmem_shared>> -> memref<128x128xf32, #tpu.memory_space<vmem_shared>>
      %dma_wait3A_191 = arith.constant 0 : i32
      %dma_wait3A_192 = arith.constant 0 : i32
      %dma_wait3A_193 = tpu.memref_slice %arg8[%arg1, %dma_wait3A_191, %dma_wait3A_192] : memref<16x256x128xf32, #tpu.memory_space<vmem_shared>> -> memref<1x256x128xf32, #tpu.memory_space<vmem_shared>>
      %dma_wait3A_194 = tpu.memref_squeeze %dma_wait3A_193 : memref<1x256x128xf32, #tpu.memory_space<vmem_shared>> -> memref<256x128xf32, #tpu.memory_space<vmem_shared>>
      %dma_wait3A_195 = arith.constant 128 : i32
      %dma_wait3A_196 = arith.constant 0 : i32
      %dma_wait3A_197 = tpu.memref_slice %dma_wait3A_194[%dma_wait3A_195, %dma_wait3A_196] : memref<256x128xf32, #tpu.memory_space<vmem_shared>> -> memref<128x128xf32, #tpu.memory_space<vmem_shared>>
      %dma_wait3A_198 = arith.constant 384 : i32
      %dma_wait3A_199 = arith.constant 0 : i32
      %dma_wait3A_200 = tpu.memref_slice %arg6[%dma_wait3A_198, %dma_wait3A_199] : memref<512x128xf32, #tpu.memory_space<vmem>> -> memref<128x128xf32, #tpu.memory_space<vmem>>
      tpu.wait_dma2 semaphore(%run_scoped3A : memref<!tpu.dma_semaphore, #tpu.memory_space<semaphore_mem>>) src(%dma_wait3A_200 : memref<128x128xf32, #tpu.memory_space<vmem>>) dst(%dma_wait3A_197 : memref<128x128xf32, #tpu.memory_space<vmem_shared>>)
      tpu.yield
    }) : () -> ()
    %add3A_112 = arith.constant 384 : i32
    %add3A_113 = arith.addi %mul3A_2, %add3A_112 : i32
    %dma_start3A_114 = arith.constant 0 : i32
    %dma_start3A_115 = tpu.memref_slice %arg4[%add3A_113, %dma_start3A_114] : memref<16384x128xf32, #tpu.memory_space<hbm>> -> memref<128x128xf32, #tpu.memory_space<hbm>>
    %dma_start3A_116 = arith.constant 0 : i32
    %dma_start3A_117 = arith.constant 0 : i32
    %dma_start3A_118 = tpu.memref_slice %arg8[%arg1, %dma_start3A_116, %dma_start3A_117] : memref<16x256x128xf32, #tpu.memory_space<vmem_shared>> -> memref<1x256x128xf32, #tpu.memory_space<vmem_shared>>
    %dma_start3A_119 = tpu.memref_squeeze %dma_start3A_118 : memref<1x256x128xf32, #tpu.memory_space<vmem_shared>> -> memref<256x128xf32, #tpu.memory_space<vmem_shared>>
    %dma_start3A_120 = arith.constant 128 : i32
    %dma_start3A_121 = arith.constant 0 : i32
    %dma_start3A_122 = tpu.memref_slice %dma_start3A_119[%dma_start3A_120, %dma_start3A_121] : memref<256x128xf32, #tpu.memory_space<vmem_shared>> -> memref<128x128xf32, #tpu.memory_space<vmem_shared>>
    tpu.enqueue_dma source(%dma_start3A_122 : memref<128x128xf32, #tpu.memory_space<vmem_shared>>) target(%dma_start3A_115 : memref<128x128xf32, #tpu.memory_space<hbm>>) target_semaphore(%arg12 : memref<!tpu.dma_semaphore, #tpu.memory_space<semaphore_mem>>)
    %dma_wait3A_123 = arith.constant 0 : i32
    %dma_wait3A_124 = arith.constant 0 : i32
    %dma_wait3A_125 = tpu.memref_slice %arg6[%dma_wait3A_123, %dma_wait3A_124] : memref<512x128xf32, #tpu.memory_space<vmem>> -> memref<128x128xf32, #tpu.memory_space<vmem>>
    %dma_wait3A_126 = arith.constant 0 : i32
    %dma_wait3A_127 = tpu.memref_slice %arg4[%add3A_54, %dma_wait3A_126] : memref<16384x128xf32, #tpu.memory_space<hbm>> -> memref<128x128xf32, #tpu.memory_space<hbm>>
    %dma_wait3A_128 = arith.constant 0 : i32
    %dma_wait3A_129 = tpu.memref_slice %arg4[%add3A_54, %dma_wait3A_128] : memref<16384x128xf32, #tpu.memory_space<hbm>> -> memref<128x128xf32, #tpu.memory_space<hbm>>
    %dma_wait3A_130 = arith.constant 0 : i32
    %dma_wait3A_131 = arith.constant 0 : i32
    %dma_wait3A_132 = tpu.memref_slice %arg6[%dma_wait3A_130, %dma_wait3A_131] : memref<512x128xf32, #tpu.memory_space<vmem>> -> memref<128x128xf32, #tpu.memory_space<vmem>>
    tpu.wait_dma2 semaphore(%arg11 : memref<!tpu.dma_semaphore, #tpu.memory_space<semaphore_mem>>) src(%dma_wait3A_132 : memref<128x128xf32, #tpu.memory_space<vmem>>) dst(%dma_wait3A_129 : memref<128x128xf32, #tpu.memory_space<hbm>>)
    %dma_wait3A_133 = arith.constant 0 : i32
    %dma_wait3A_134 = tpu.memref_slice %arg4[%add3A_74, %dma_wait3A_133] : memref<16384x128xf32, #tpu.memory_space<hbm>> -> memref<128x128xf32, #tpu.memory_space<hbm>>
    %dma_wait3A_135 = arith.constant 0 : i32
    %dma_wait3A_136 = arith.constant 0 : i32
    %dma_wait3A_137 = tpu.memref_slice %arg8[%arg1, %dma_wait3A_135, %dma_wait3A_136] : memref<16x256x128xf32, #tpu.memory_space<vmem_shared>> -> memref<1x256x128xf32, #tpu.memory_space<vmem_shared>>
    %dma_wait3A_138 = tpu.memref_squeeze %dma_wait3A_137 : memref<1x256x128xf32, #tpu.memory_space<vmem_shared>> -> memref<256x128xf32, #tpu.memory_space<vmem_shared>>
    %dma_wait3A_139 = arith.constant 0 : i32
    %dma_wait3A_140 = arith.constant 0 : i32
    %dma_wait3A_141 = tpu.memref_slice %dma_wait3A_138[%dma_wait3A_139, %dma_wait3A_140] : memref<256x128xf32, #tpu.memory_space<vmem_shared>> -> memref<128x128xf32, #tpu.memory_space<vmem_shared>>
    tpu.wait_dma2 semaphore(%arg12 : memref<!tpu.dma_semaphore, #tpu.memory_space<semaphore_mem>>) src(%dma_wait3A_141 : memref<128x128xf32, #tpu.memory_space<vmem_shared>>) dst(%dma_wait3A_134 : memref<128x128xf32, #tpu.memory_space<hbm>>)
    %dma_wait3A_142 = arith.constant 256 : i32
    %dma_wait3A_143 = arith.constant 0 : i32
    %dma_wait3A_144 = tpu.memref_slice %arg6[%dma_wait3A_142, %dma_wait3A_143] : memref<512x128xf32, #tpu.memory_space<vmem>> -> memref<128x128xf32, #tpu.memory_space<vmem>>
    %dma_wait3A_145 = arith.constant 0 : i32
    %dma_wait3A_146 = tpu.memref_slice %arg4[%add3A_93, %dma_wait3A_145] : memref<16384x128xf32, #tpu.memory_space<hbm>> -> memref<128x128xf32, #tpu.memory_space<hbm>>
    %dma_wait3A_147 = arith.constant 0 : i32
    %dma_wait3A_148 = tpu.memref_slice %arg4[%add3A_93, %dma_wait3A_147] : memref<16384x128xf32, #tpu.memory_space<hbm>> -> memref<128x128xf32, #tpu.memory_space<hbm>>
    %dma_wait3A_149 = arith.constant 256 : i32
    %dma_wait3A_150 = arith.constant 0 : i32
    %dma_wait3A_151 = tpu.memref_slice %arg6[%dma_wait3A_149, %dma_wait3A_150] : memref<512x128xf32, #tpu.memory_space<vmem>> -> memref<128x128xf32, #tpu.memory_space<vmem>>
    tpu.wait_dma2 semaphore(%arg11 : memref<!tpu.dma_semaphore, #tpu.memory_space<semaphore_mem>>) src(%dma_wait3A_151 : memref<128x128xf32, #tpu.memory_space<vmem>>) dst(%dma_wait3A_148 : memref<128x128xf32, #tpu.memory_space<hbm>>)
    %dma_wait3A_152 = arith.constant 0 : i32
    %dma_wait3A_153 = tpu.memref_slice %arg4[%add3A_113, %dma_wait3A_152] : memref<16384x128xf32, #tpu.memory_space<hbm>> -> memref<128x128xf32, #tpu.memory_space<hbm>>
    %dma_wait3A_154 = arith.constant 0 : i32
    %dma_wait3A_155 = arith.constant 0 : i32
    %dma_wait3A_156 = tpu.memref_slice %arg8[%arg1, %dma_wait3A_154, %dma_wait3A_155] : memref<16x256x128xf32, #tpu.memory_space<vmem_shared>> -> memref<1x256x128xf32, #tpu.memory_space<vmem_shared>>
    %dma_wait3A_157 = tpu.memref_squeeze %dma_wait3A_156 : memref<1x256x128xf32, #tpu.memory_space<vmem_shared>> -> memref<256x128xf32, #tpu.memory_space<vmem_shared>>
    %dma_wait3A_158 = arith.constant 128 : i32
    %dma_wait3A_159 = arith.constant 0 : i32
    %dma_wait3A_160 = tpu.memref_slice %dma_wait3A_157[%dma_wait3A_158, %dma_wait3A_159] : memref<256x128xf32, #tpu.memory_space<vmem_shared>> -> memref<128x128xf32, #tpu.memory_space<vmem_shared>>
    tpu.wait_dma2 semaphore(%arg12 : memref<!tpu.dma_semaphore, #tpu.memory_space<semaphore_mem>>) src(%dma_wait3A_160 : memref<128x128xf32, #tpu.memory_space<vmem_shared>>) dst(%dma_wait3A_153 : memref<128x128xf32, #tpu.memory_space<hbm>>)
    return
  }
}

</mosaic_0001>

<sc_bundles>
// kernel: kernel.3.cloned.1.call-start
scs
__scs_entry_jumppad:
0x0: {  	(pc) =	sbr.rel $0x88, $3  }
0x1: {  	(tag) =	ssettag $0x0;
	lr =	simm.s32 $0x1  }
0x2: {  	[smem:$0x3F9F] =	sst lr;
	_ =	strace $0xD0000000  }
0x3: {  	_ = 	snop  }
0x4: {  	_ = 	snop  }
0x5: {  	_ = 	snop  }
0x6: {  	_ = 	snop  }
0x7: {  	_ = 	snop  }
__scs_overlays_trampoline_lowered:
0x8: {  	[smem:$0x3FAE] =	sst s0  }
0x9: {  	[smem:$0x3FAF] =	sst s1  }
0xa: {  	[smem:$0x3FB0] =	sst s2  }
0xb: {  	[smem:$0x3FB1] =	sst s3  }
0xc: {  	[smem:$0x3FB2] =	sst s4  }
0xd: {  	[smem:$0x3FB3] =	sst s5  }
0xe: {  	[smem:$0x3FB4] =	sst s6  }
0xf: {  	[smem:$0x3FB5] =	sst s7  }
0x10: {  	[smem:$0x3FB6] =	sst s8  }
0x11: {  	[smem:$0x3FB7] =	sst s9;
	s0 =	simm.s32 @!p0 $0x0  }
0x12: {  	s1 =	sld [smem:$0x3F9D];
	s0 =	simm.s32 @p0 $0x1  }
0x13: {  	[smem:$0x3FB8] =	sst s0;
	s0 =	simm.s32 @!p1 $0x0  }
0x14: {  	s2 =	sld [smem:$0x3F9C];
	s0 =	simm.s32 @p1 $0x1  }
0x15: {  	[smem:$0x3FB9] =	sst s0;
	s0 =	simm.s32 @!p2 $0x0  }
0x16: {  	s3 =	sld [smem:$0x3FDB];
	s0 =	simm.s32 @p2 $0x1  }
0x17: {  	s4 =	simm.s32 $0x1BF5;
	[smem:$0x3FBB] =	sst s0  }
0x18: {  	s0 =	sld [smem:$0x3F9E];
	_ =	swait.ge [sflag:s4], $0x0  }
0x19: {  	s7 =	sld [smem:$0x3F9F]  }
0x1a: {  	s8 =	sadd.s32 $0xFFFFE003, lr  }
0x1b: {  	s9 =	sadd.s32 $0xFFFFFEF7, lr;
	s5 =	simm.s32 $0xFFFFFFFF;
	p2 =	slt.u32 s8, $0xFFFFF086  }
0x1c: {  	p1 =	slt.u32 s9, $0xF7A;
	s5 =	simm.s32 @!p2 $0x0  }
0x1d: {  	s5 =	simm.s32 @p1 $0x1;
	p0 =	seq.s32 s7, s2  }
0x1e: {  	s7 =	smul.u32 @!p0 $0xF7A, s2;
	p2 =	seq.s32 @!p0 s5, $0x0  }
0x1f: {  	s9 =	smul.u32 $0xF7A, s1;
	s8 =	simm.s32 @!p0 $0x1BF5;
	p2 =	por !p2, p0  }
0x20: {  	[sflag:s8] =	ssyncset.s32 @!p0 $0xFFFFF086;
	s6 =	sadd.s32 @!p0 s3, s7;
	s7 =	simm.s32 @!p0 $0x108  }
0x21: {  	s3 =	sadd.s32 s3, s9;
	s6 =	sadd.s32 @!p0 $0x88, s6;
	s7 =	simm.s32 @p2 $0x1082  }
0x22: {  	[simem:s7], [sflag:s8] =	dma.local @!p0 [hbm:s6], $0xF7A  }
0x23: {  	s9 =	sor.u32 $0xD0000000, s2;
	s6 =	simm.s32 $0x108;
	_ =	swait.ge @!p0 [sflag:s8], $0x0  }
0x24: {  	s3 =	sadd.s32 $0x88, s3;
	s6 =	simm.s32 @!p1 $0x1082;
	[sflag:s4] =	ssyncset.s32 $0xFFFFF086  }
0x25: {  	[simem:s6], [sflag:s4] =	dma.local [hbm:s3], $0xF7A  }
0x26: {  	[smem:$0x3F9F] =	sst s1;
	(tag) =	ssettag s2;
	_ =	strace s9  }
0x27: {  	s1 =	sld [smem:$0x3FAF]  }
0x28: {  	s2 =	sld [smem:$0x3FB0]  }
0x29: {  	s4 =	sld [smem:$0x3FB2]  }
0x2a: {  	p0 =	seq.s32 s5, $0x0;
	s5 =	sld [smem:$0x3FB3]  }
0x2b: {  	s6 =	sld [smem:$0x3FB4]  }
0x2c: {  	s7 =	sld [smem:$0x3FB5]  }
0x2d: {  	s3 =	simm.s32 $0x108;
	s8 =	sld [smem:$0x3FB6]  }
0x2e: {  	s3 =	simm.s32 @!p0 $0x1082;
	s9 =	sld [smem:$0x3FB7]  }
0x2f: {  	lr =	sadd.s32 s0, s3;
	s0 =	sld [smem:$0x3FAE]  }
0x30: {  	s3 =	sld [smem:$0x3FB1]  }
0x31: {  	[smem:$0x3FBA] =	sst s10  }
0x32: {  	s10 =	sld [smem:$0x3FB8];
	_ =	sdelay $0x3  }
0x33: {  	p0 =	seq.s32 s10, $0x1;
	s10 =	sld [smem:$0x3FBA];
	_ =	sdelay $0x3  }
0x34: {  	[smem:$0x3FBA] =	sst s10  }
0x35: {  	s10 =	sld [smem:$0x3FB9];
	_ =	sdelay $0x3  }
0x36: {  	p1 =	seq.s32 s10, $0x1;
	s10 =	sld [smem:$0x3FBA];
	_ =	sdelay $0x3  }
0x37: {  	[smem:$0x3FBA] =	sst s10  }
0x38: {  	s10 =	sld [smem:$0x3FBB]  }
0x39: {  	_ = 	snop;
	(pc) =	sbr.ind lr, $3  }
0x3a: {  	_ = 	snop  }
0x3b: {  	_ = 	snop  }
0x3c: {  	p2 =	seq.s32 s10, $0x1;
	s10 =	sld [smem:$0x3FBA]  }
0x3d: {  	_ =	shalt  }
0x3e: {  	_ =	shalt  }
0x3f: {  	_ =	shalt  }
0x40: {  	_ =	shalt  }
0x41: {  	_ =	shalt  }
0x42: {  	_ =	shalt  }
0x43: {  	_ =	shalt  }
0x44: {  	_ =	shalt  }
0x45: {  	_ =	shalt  }
0x46: {  	_ =	shalt  }
0x47: {  	_ =	shalt  }
0x48: {  	_ =	shalt  }
0x49: {  	_ =	shalt  }
0x4a: {  	_ =	shalt  }
0x4b: {  	_ =	shalt  }
0x4c: {  	_ =	shalt  }
0x4d: {  	_ =	shalt  }
0x4e: {  	_ =	shalt  }
0x4f: {  	_ =	shalt  }
0x50: {  	_ =	shalt  }
0x51: {  	_ =	shalt  }
0x52: {  	_ =	shalt  }
0x53: {  	_ =	shalt  }
0x54: {  	_ =	shalt  }
0x55: {  	_ =	shalt  }
0x56: {  	_ =	shalt  }
0x57: {  	_ =	shalt  }
0x58: {  	_ =	shalt  }
0x59: {  	_ =	shalt  }
0x5a: {  	_ =	shalt  }
0x5b: {  	_ =	shalt  }
0x5c: {  	_ =	shalt  }
0x5d: {  	_ =	shalt  }
0x5e: {  	_ =	shalt  }
0x5f: {  	_ =	shalt  }
0x60: {  	_ =	shalt  }
0x61: {  	_ =	shalt  }
0x62: {  	_ =	shalt  }
0x63: {  	_ =	shalt  }
0x64: {  	_ =	shalt  }
0x65: {  	_ =	shalt  }
0x66: {  	_ =	shalt  }
0x67: {  	_ =	shalt  }
0x68: {  	_ =	shalt  }
0x69: {  	_ =	shalt  }
0x6a: {  	_ =	shalt  }
0x6b: {  	_ =	shalt  }
0x6c: {  	_ =	shalt  }
0x6d: {  	_ =	shalt  }
0x6e: {  	_ =	shalt  }
0x6f: {  	_ =	shalt  }
0x70: {  	_ =	shalt  }
0x71: {  	_ =	shalt  }
0x72: {  	_ =	shalt  }
0x73: {  	_ =	shalt  }
0x74: {  	_ =	shalt  }
0x75: {  	_ =	shalt  }
0x76: {  	_ =	shalt  }
0x77: {  	_ =	shalt  }
0x78: {  	_ =	shalt  }
0x79: {  	_ =	shalt  }
0x7a: {  	_ =	shalt  }
0x7b: {  	_ =	shalt  }
0x7c: {  	_ =	shalt  }
0x7d: {  	_ =	shalt  }
0x7e: {  	_ =	shalt  }
0x7f: {  	_ =	shalt  }
0x80: {  	_ =	shalt  }
0x81: {  	_ =	shalt  }
0x82: {  	_ =	shalt  }
0x83: {  	_ =	shalt  }
0x84: {  	_ =	shalt  }
0x85: {  	_ =	shalt  }
0x86: {  	_ =	shalt  }
0x87: {  	_ =	shalt  }
.Lfunc_end0:
.L_simem_size_0:
called_computation_lowered:
.L_overlay_start_0:
0x88: {  	s2 =	sld [smem:$0x3FD9]  }
0x89: {  	s3 =	sld [smem:$0x3FFE];
	_ =	sdelay $0x1  }
0x8a: {  	s1 =	srdreg.scid  }
0x8b: {  	s0 =	sand.u32 $0x1, s1  }
0x8c: {  	s18 =	sshll.u32 s0, $0xA;
	s2 =	sadd.s32 s3, s2  }
0x8d: {  	s2 =	sadd.s32 s2, s18  }
0x8e: {  	[smem:$0x3FC6] =	sst s2  }
0x8f: {  	_ = 	snop  }
0x90: {  	s2 =	sld [smem:$0x3FC9]  }
0x91: {  	s19 =	sld [smem:$0x3FC8]  }
0x92: {  	s4 =	sld [smem:$0x3FD0];
	(tm) =	ssettm $0x1  }
0x93: {  	s5 =	sld [smem:$0x3FFB];
	_ =	sdelay $0x3  }
0x94: {  	_ =	strace s5  }
0x95: {  	s5 =	sld [smem:$0x3FFC];
	_ =	sdelay $0x3  }
0x96: {  	_ =	strace s5  }
0x97: {  	s5 =	sld [smem:$0x3FFD];
	_ =	sdelay $0x3  }
0x98: {  	_ =	strace s5  }
0x99: {  	_ =	strace $0x8FFFFFFF  }
0x9a: {  	s20 =	sld [smem:$0x3FDB];
	_ =	sdelay $0x1  }
0x9b: {  	s6 =	simm.s32 $_scs_section_size  }
0x9c: {  	s7 =	simm.s32 $_size__tile_overlayer_lowered;
	s8 =	simm.s32 $_tile_overlayer_lowered  }
0x9d: {  	s23 =	simm.s32 $0x1BFF;
	s22 =	sshll.u32 s8, $0x1;
	s5 =	sadd.s32 s6, s20  }
0x9e: {  	s9 =	simm.s32 $0x0;
	s21 =	sshll.u32 s7, $0x1;
	s7 =	sadd.s32 s22, s5  }
0x9f: {  	[timem:s9], [sflag:s23] =	dma.local [hbm:s7], s21  }
0xa0: {  	_ =	swait.ge [sflag:s23], s21  }
0xa1: {  	s6 =	ssub.s32 $0x0, s21;
	[sflag:s23] =	ssyncset.done $0x0  }
0xa2: {  	[sflag:s23] =	ssyncadd.s32 s6;
	_ =	sdelay $0x1  }
0xa3: {  	s24 =	simm.s32 $0x1B8B  }
0xa4: {  	_ =	swait.ge [sflag:s24], $0x1  }
0xa5: {  	[sflag:s24] =	ssyncset.done $0x0  }
0xa6: {  	s25 =	simm.s32 $0x1B8E;
	[sflag:s24] =	ssyncadd.s32 $0xFFFFFFFF  }
0xa7: {  	s26 =	simm.s32 $execute0_lowered;
	[smem:$0x3FD2] =	sst s25  }
0xa8: {  	s6 =	sshll.u32 s26, $0x1;
	_ =	strace $0x80000046;
	[dreg:$0x1] =	wrdreg $0xFFFFFFFF  }
0xa9: {  	s28 =	simm.s32 $_size_execute0_lowered;
	s5 =	sadd.s32 s5, s6;
	[dreg:$0x0] =	wrdreg $0x0  }
0xaa: {  	s6 =	sshll.u32 s28, $0x1;
	[dreg:$0x2] =	wrdreg s5  }
0xab: {  	[dreg:$0x3] =	wrdreg s6  }
0xac: {  	[dreg:$0x4] =	wrdreg $0xC0  }
0xad: {  	_ =	task [dreg:s9], $0x5FFFF  }
0xae: {  	[dreg:$0x1] =	wrdreg $0xFFFFFFFF  }
0xaf: {  	[dreg:$0x0] =	wrdreg $0x60  }
0xb0: {  	[dreg:$0x2] =	wrdreg s2  }
0xb1: {  	[dreg:$0x3] =	wrdreg s19  }
0xb2: {  	[dreg:$0x4] =	wrdreg s4  }
0xb3: {  	[dreg:$0x5] =	wrdreg $0x102000  }
0xb4: {  	[dreg:$0x6] =	wrdreg $0x121480  }
0xb5: {  	[dreg:$0x7] =	wrdreg $0x9  }
0xb6: {  	_ =	task.clear_ibuf [dreg:s9], $0x8FFFF;
	_ =	strace $0x90000046  }
0xb7: {  	s29 =	simm.s32 $0x9;
	_ =	strace $0x80000048  }
0xb8: {  	_ =	swait.ge [sflag:s29], $0x1  }
0xb9: {  	[sflag:s29] =	ssyncadd.s32 $0xFFFFFFFF  }
0xba: {  	_ =	strace $0x90000048  }
0xbb: {  	_ =	sfence  }
0xbc: {  	s30 =	sld [smem:$0x0];
	_ =	sdelay $0x2  }
0xbd: {  	s31 =	sshll.u32 s1, $0xD;
	s1 =	sshrl.u32 s1, $0x2  }
0xbe: {  	s3 =	sand.u32 $0x4000, s31;
	s1 =	sadd.s32 s1, s30  }
0xbf: {  	s0 =	sor.u32 s3, s0;
	s1 =	sshll.u32 s1, $0x11  }
0xc0: {  	s0 =	sor.u32 s1, s0  }
0xc1: {  	s0 =	sadd.s32 $0x8F2B, s0  }
0xc2: {  	[sflag:s0] =	ssyncadd.remote.s32 $0x1  }
0xc3: {  	_ =	sfence.sel $0xFFFF  }
0xc4: {  	[dreg:$0x0] =	wrdreg $0xFFFFFFFF;
	(pc) =	sbr.abs _section_cstart, $3  }
0xc5: {  	[dreg:$0x1] =	wrdreg $0xFFFFFFFF  }
0xc6: {  	_ =	task.clear_ibuf [dreg:s9], $0x2FFFF;
	_ =	strace $0x9FFFFFFF  }
0xc7: {  	(tm) =	ssettm $0x7FFFFFFF  }
tec
execute0_lowered:
.L_overlay_start_1:
0x0: {  	(tag) =	ssettag $0x1  }
0x1: {  	s0 =	rddreg [dreg:$0x0]  }
0x2: {  	s4 =	rddreg [dreg:$0x1]  }
0x3: {  	s5 =	rddreg [dreg:$0x2]  }
0x4: {  	s3 =	rddreg [dreg:$0x3]  }
0x5: {  	s6 =	rddreg [dreg:$0x4];
	s2 =	srdreg.scid  }
0x6: {  	s24 =	rddreg [dreg:$0x5];
	s25 =	stileid.u32;
	s18 =	simm.s32 $0x1  }
0x7: {  	s17 =	simm.s32 $0x80;
	s16 =	simm.s32 $0x200;
	s15 =	simm.s32 $0x4200  }
0x8: {  	s19 =	simm.s32 $0x100;
	s13 =	simm.s32 $0x8200;
	s20 =	simm.s32 $0x180  }
0x9: {  	s14 =	simm.s32 $0x2;
	p1 =	por $0x0, $0x0;
	s7 =	sand.u32 $0x1, s2  }
0xa: {  	s2 =	simm.s32 $0x0;
	s8 =	sshll.u32 s25, $0xA;
	s12 =	sshll.u32 s25, $0xF  }
0xb: {  	p0 =	seq.s32 s25, $0xF;
	s9 =	sshll.u32 s7, $0x9;
	[smem:$0x7FF] =	sst s2  }
0xc: {  	s7 =	ssub.s32 $0x2, s7;
	s29 =	sshrl.u32 s12, $0x2;
	s9 =	sor.u32 s9, s8  }
0xd: {  	_ =	strace $0x80000047;
	s11 =	sshrl.u32 s7, $0x1;
	s8 =	sadd.s32 s4, s8  }
0xe: {  	s4 =	sadd.s32 $0x3C00, s4;
	s10 =	sshrl.u32 s9, $0x3;
	s7 =	ssub.s32 s7, s11  }
0xf: {  	s9 =	sshll.u32 s9, $0x4;
	[dreg:$0x7] =	wrdreg s8;
	s8 =	sadd.s32 $0x1E000, s3  }
0x10: {  	[dreg:$0x8] =	wrdreg s4;
	s11 =	simm.s32 $0xC200;
	s7 =	smax.u32 s7, $0x1  }
0x11: {  	s0 =	sadd.s32 s0, s10;
	s10 =	sadd.s32 s5, s9;
	s31 =	sadd.s32 $0xFFFFFFFF, s7  }
0x12: {  	s9 =	sadd.s32 s12, s6;
	s23 =	sshrl.u32 @p0 s8, $0x3;
	p2 =	sne.s32 s31, $0x0  }
.Ltmp0:
0x13: {  	s8 =	sshll.u32 @!p0 s25, $0x6;
	s12 =	simm.s32 $0x5;
	(pc) =	sbr.rel @!p2 .LBB2_5-.Ltmp0, $4  }
0x14: {  	[dreg:$0x6] =	wrdreg s0;
	s0 =	sadd.s32 s29, s3;
	s30 =	sadd.s32 $0x800, s10  }
0x15: {  	s6 =	sadd.s32 $0x1000, s10;
	s4 =	sadd.s32 $0x4000, s9;
	s5 =	sadd.s32 $0x1800, s10  }
0x16: {  	s21 =	sor.u32 @!p0 $0x1C05, s8;
	s8 =	simm.s32 $0x3;
	[dreg:$0x9] =	wrdreg s30  }
0x17: {  	s7 =	simm.s32 $0x4;
	s22 =	sshrl.u32 @!p0 s0, $0x3;
	s0 =	rddreg [dreg:$0x6]  }
0x18: {  	s26 =	rddreg [dreg:$0x8];
	s24 =	simm.s32 @p0 $0x1FC5;
	s25 =	simm.s32 @p0 $0x5  }
0x19: {  	[tilespmem:s2], [sflag:$0x1] =	stream.linear.gather [hbm4b:s0+s2], $0x200, $0x38;
	[tilespmem:$0x1A148] =	vst v63  }
0x1a: {  	[spmem:s23], [sflag:s24] =	dma.local @p0 [hbm:s26], $0x290  }
0x1b: {  	_ =	swait.ge @p0 [sflag:s25], $0x290  }
0x1c: {  	[sflag:s25] =	ssyncset.done @p0 $0x0  }
0x1d: {  	s26 =	simm.s32 @!p0 $0x5;
	s0 =	rddreg [dreg:$0x7];
	[sflag:s25] =	ssyncadd.s32 @p0 $0xFFFFFD70  }
0x1e: {  	[spmem:s22], [sflag:s21] =	dma.local @!p0 [hbm:s0], $0x400  }
0x1f: {  	_ =	swait.ge @!p0 [sflag:s26], $0x400  }
0x20: {  	[sflag:s26] =	ssyncset.done @!p0 $0x0  }
0x21: {  	[sflag:s26] =	ssyncadd.s32 @!p0 $0xFFFFFC00  }
0x22: {  	_ =	swait.ge [sflag:s18], $0x200  }
0x23: {  	[sflag:s18] =	ssyncset.done $0x0  }
0x24: {  	[sflag:s18] =	ssyncadd.s32 $0xFFFFFE00  }
0x25: {  	[bflag:$0x0] =	sbarrier.arrive $0xFFFF  }
0x26: {  	[tilespmem:s16], [sflag:$0x2] =	stream.indirect.gather [spmem:s3], $0x80, s2, s17, $0xb8;
	[tilespmem:$0x1A148] =	vst v63  }
0x27: {  	_ = 	snop  }
0x28: {  	[tilespmem:s15], [sflag:$0x2] =	stream.indirect.gather [spmem:s3], $0x80, s17, s17, $0xb8;
	[tilespmem:$0x1A148] =	vst v63  }
0x29: {  	_ = 	snop  }
0x2a: {  	[tilespmem:s13], [sflag:$0x2] =	stream.indirect.gather [spmem:s3], $0x80, s19, s17, $0xb8;
	[tilespmem:$0x1A148] =	vst v63  }
0x2b: {  	_ = 	snop  }
0x2c: {  	[tilespmem:s11], [sflag:$0x2] =	stream.indirect.gather [spmem:s3], $0x80, s20, s17, $0xb8;
	[tilespmem:$0x1A148] =	vst v63  }
0x2d: {  	_ =	swait.ge [sflag:s14], $0x4000  }
0x2e: {  	[sflag:s14] =	ssyncset.done $0x0  }
0x2f: {  	[sflag:s14] =	ssyncadd.s32 $0xFFFFC000  }
0x30: {  	[hbm4b:s10+s2] =	stream.linear.scatter [tilespmem:s16], [sflag:$0x3], $0x4000, $0x38;
	[tilespmem:$0x1A148] =	vst v63  }
0x31: {  	_ =	swait.ge [sflag:s14], $0x4000  }
0x32: {  	[sflag:s14] =	ssyncset.done $0x0  }
0x33: {  	[sflag:s14] =	ssyncadd.s32 $0xFFFFC000  }
0x34: {  	[spmem:s9] =	stream.linear.scatter [tilespmem:s15], [sflag:$0x5], $0x4000, $0x38;
	[tilespmem:$0x1A148] =	vst v63  }
0x35: {  	s1 =	stileid.u32;
	_ =	swait.ge [sflag:s12], $0x4000  }
0x36: {  	s29 =	sshrl.u32 s9, $0x3;
	s28 =	sshll.u32 s1, $0x6;
	[sflag:s12] =	ssyncset.done $0x0  }
0x37: {  	s28 =	sor.u32 $0x1C04, s28;
	s0 =	rddreg [dreg:$0x9];
	[sflag:s12] =	ssyncadd.s32 $0xFFFFC000  }
0x38: {  	[hbm:s0], [sflag:s28] =	dma.local [spmem:s29], $0x800  }
0x39: {  	_ =	swait.ge [sflag:s14], $0x4000  }
0x3a: {  	[sflag:s14] =	ssyncset.done $0x0  }
0x3b: {  	[sflag:s14] =	ssyncadd.s32 $0xFFFFC000  }
0x3c: {  	[hbm4b:s6+s2] =	stream.linear.scatter [tilespmem:s13], [sflag:$0x3], $0x4000, $0x38;
	[tilespmem:$0x1A148] =	vst v63  }
0x3d: {  	_ =	swait.ge [sflag:s14], $0x4000  }
0x3e: {  	[sflag:s14] =	ssyncset.done $0x0  }
0x3f: {  	[sflag:s14] =	ssyncadd.s32 $0xFFFFC000  }
0x40: {  	[spmem:s4] =	stream.linear.scatter [tilespmem:s11], [sflag:$0x5], $0x4000, $0x38;
	[tilespmem:$0x1A148] =	vst v63  }
0x41: {  	_ =	swait.ge [sflag:s12], $0x4000  }
0x42: {  	[sflag:s12] =	ssyncset.done $0x0  }
0x43: {  	s30 =	sshrl.u32 s4, $0x3;
	[sflag:s12] =	ssyncadd.s32 $0xFFFFC000  }
0x44: {  	[hbm:s5], [sflag:s28] =	dma.local [spmem:s30], $0x800  }
0x45: {  	_ =	swait.ge [sflag:s8], $0x4000  }
0x46: {  	[sflag:s8] =	ssyncset.done $0x0  }
0x47: {  	[sflag:s8] =	ssyncadd.s32 $0xFFFFC000  }
0x48: {  	_ =	swait.ge [sflag:s7], $0x800  }
0x49: {  	s31 =	sadd.s32 $0xFFFFFFFF, s31;
	[sflag:s7] =	ssyncset.done $0x0  }
0x4a: {  	p2 =	sne.s32 s31, $0x0;
	[sflag:s7] =	ssyncadd.s32 $0xFFFFF800  }
.Ltmp1:
0x4b: {  	_ =	swait.ge [sflag:s8], $0x4000;
	(pc) =	sbr.rel @!p2 .LBB2_2-.Ltmp1, $4  }
0x4c: {  	[sflag:s8] =	ssyncset.done $0x0  }
0x4d: {  	[sflag:s8] =	ssyncadd.s32 $0xFFFFC000  }
0x4e: {  	_ =	swait.ge [sflag:s7], $0x800  }
0x4f: {  	p1 =	por $0x1, $0x1;
	s0 =	rddreg [dreg:$0x6];
	[sflag:s7] =	ssyncset.done $0x0  }
.LBB2_3:
0x50: {  	s1 =	rddreg [dreg:$0x8];
	[sflag:s7] =	ssyncadd.s32 $0xFFFFF800  }
0x51: {  	[tilespmem:s2], [sflag:$0x1] =	stream.linear.gather [hbm4b:s0+s2], $0x200, $0x38;
	[tilespmem:$0x1A148] =	vst v63  }
0x52: {  	[spmem:s23], [sflag:s24] =	dma.local @p0 [hbm:s1], $0x290  }
0x53: {  	_ =	swait.ge @p0 [sflag:s25], $0x290  }
0x54: {  	[sflag:s25] =	ssyncset.done @p0 $0x0  }
0x55: {  	s0 =	rddreg [dreg:$0x7];
	[sflag:s25] =	ssyncadd.s32 @p0 $0xFFFFFD70  }
0x56: {  	[spmem:s22], [sflag:s21] =	dma.local @!p0 [hbm:s0], $0x400  }
0x57: {  	_ =	swait.ge @!p0 [sflag:s26], $0x400  }
0x58: {  	[sflag:s26] =	ssyncset.done @!p0 $0x0  }
0x59: {  	[sflag:s26] =	ssyncadd.s32 @!p0 $0xFFFFFC00  }
0x5a: {  	_ =	swait.ge [sflag:s18], $0x200  }
0x5b: {  	[sflag:s18] =	ssyncset.done $0x0  }
0x5c: {  	[sflag:s18] =	ssyncadd.s32 $0xFFFFFE00  }
0x5d: {  	[bflag:$0x0] =	sbarrier.arrive $0xFFFF  }
0x5e: {  	[tilespmem:s16], [sflag:$0x2] =	stream.indirect.gather [spmem:s3], $0x80, s2, s17, $0xb8;
	[tilespmem:$0x1A148] =	vst v63  }
0x5f: {  	_ = 	snop  }
0x60: {  	[tilespmem:s15], [sflag:$0x2] =	stream.indirect.gather [spmem:s3], $0x80, s17, s17, $0xb8;
	[tilespmem:$0x1A148] =	vst v63  }
0x61: {  	_ = 	snop  }
0x62: {  	[tilespmem:s13], [sflag:$0x2] =	stream.indirect.gather [spmem:s3], $0x80, s19, s17, $0xb8;
	[tilespmem:$0x1A148] =	vst v63  }
0x63: {  	_ = 	snop  }
0x64: {  	[tilespmem:s11], [sflag:$0x2] =	stream.indirect.gather [spmem:s3], $0x80, s20, s17, $0xb8;
	[tilespmem:$0x1A148] =	vst v63  }
0x65: {  	_ =	swait.ge [sflag:s14], $0x4000  }
0x66: {  	[sflag:s14] =	ssyncset.done $0x0  }
0x67: {  	[sflag:s14] =	ssyncadd.s32 $0xFFFFC000  }
0x68: {  	[hbm4b:s10+s2] =	stream.linear.scatter [tilespmem:s16], [sflag:$0x3], $0x4000, $0x38;
	[tilespmem:$0x1A148] =	vst v63  }
0x69: {  	_ =	swait.ge [sflag:s14], $0x4000  }
0x6a: {  	[sflag:s14] =	ssyncset.done $0x0  }
0x6b: {  	[sflag:s14] =	ssyncadd.s32 $0xFFFFC000  }
0x6c: {  	[spmem:s9] =	stream.linear.scatter [tilespmem:s15], [sflag:$0x5], $0x4000, $0x38;
	[tilespmem:$0x1A148] =	vst v63  }
0x6d: {  	_ =	swait.ge [sflag:s12], $0x4000  }
0x6e: {  	[sflag:s12] =	ssyncset.done $0x0  }
0x6f: {  	s1 =	rddreg [dreg:$0x9];
	[sflag:s12] =	ssyncadd.s32 $0xFFFFC000  }
0x70: {  	[hbm:s1], [sflag:s28] =	dma.local [spmem:s29], $0x800  }
0x71: {  	_ =	swait.ge [sflag:s14], $0x4000  }
0x72: {  	[sflag:s14] =	ssyncset.done $0x0  }
0x73: {  	[sflag:s14] =	ssyncadd.s32 $0xFFFFC000  }
0x74: {  	[hbm4b:s6+s2] =	stream.linear.scatter [tilespmem:s13], [sflag:$0x3], $0x4000, $0x38;
	[tilespmem:$0x1A148] =	vst v63  }
0x75: {  	_ =	swait.ge [sflag:s14], $0x4000  }
0x76: {  	[sflag:s14] =	ssyncset.done $0x0  }
0x77: {  	[sflag:s14] =	ssyncadd.s32 $0xFFFFC000  }
0x78: {  	[spmem:s4] =	stream.linear.scatter [tilespmem:s11], [sflag:$0x5], $0x4000, $0x38;
	[tilespmem:$0x1A148] =	vst v63  }
0x79: {  	_ =	swait.ge [sflag:s12], $0x4000  }
0x7a: {  	[sflag:s12] =	ssyncset.done $0x0  }
0x7b: {  	[sflag:s12] =	ssyncadd.s32 $0xFFFFC000  }
0x7c: {  	[hbm:s5], [sflag:s28] =	dma.local [spmem:s30], $0x800  }
0x7d: {  	_ =	swait.ge [sflag:s8], $0x4000  }
0x7e: {  	[sflag:s8] =	ssyncset.done $0x0  }
0x7f: {  	[sflag:s8] =	ssyncadd.s32 $0xFFFFC000  }
0x80: {  	_ =	swait.ge [sflag:s7], $0x800  }
0x81: {  	s31 =	sadd.s32 $0xFFFFFFFF, s31;
	[sflag:s7] =	ssyncset.done $0x0  }
0x82: {  	p2 =	sne.s32 s31, $0x0;
	[sflag:s7] =	ssyncadd.s32 $0xFFFFF800  }
.Ltmp2:
0x83: {  	_ =	swait.ge [sflag:s8], $0x4000;
	(pc) =	sbr.rel @p2 .LBB2_3-.Ltmp2, $4  }
0x84: {  	[sflag:s8] =	ssyncset.done $0x0  }
0x85: {  	[sflag:s8] =	ssyncadd.s32 $0xFFFFC000  }
0x86: {  	_ =	swait.ge [sflag:s7], $0x800  }
0x87: {  	s0 =	rddreg [dreg:$0x6];
	[sflag:s7] =	ssyncset.done $0x0  }
0x88: {  	s24 =	rddreg [dreg:$0x5];
	s25 =	stileid.u32  }
.LBB2_5:
0x89: {  	[sflag:s7] =	ssyncadd.s32 @p1 $0xFFFFF800  }
0x8a: {  	[tilespmem:s2], [sflag:$0x1] =	stream.linear.gather [hbm4b:s0+s2], $0x200, $0x38;
	[tilespmem:$0x1A148] =	vst v63  }
0x8b: {  	s1 =	rddreg [dreg:$0x8];
	s0 =	simm.s32 @p0 $0x1FC5  }
0x8c: {  	[spmem:s23], [sflag:s0] =	dma.local @p0 [hbm:s1], $0x290  }
0x8d: {  	s0 =	simm.s32 @p0 $0x5  }
0x8e: {  	_ =	swait.ge @p0 [sflag:s0], $0x290  }
0x8f: {  	[sflag:s0] =	ssyncset.done @p0 $0x0  }
0x90: {  	s1 =	rddreg [dreg:$0x7];
	[sflag:s0] =	ssyncadd.s32 @p0 $0xFFFFFD70;
	s0 =	simm.s32 @!p0 $0x5  }
0x91: {  	[spmem:s22], [sflag:s21] =	dma.local @!p0 [hbm:s1], $0x400  }
0x92: {  	_ =	swait.ge @!p0 [sflag:s0], $0x400  }
0x93: {  	[sflag:s0] =	ssyncset.done @!p0 $0x0  }
0x94: {  	[sflag:s0] =	ssyncadd.s32 @!p0 $0xFFFFFC00  }
0x95: {  	_ =	swait.ge [sflag:s18], $0x200  }
0x96: {  	[sflag:s18] =	ssyncset.done $0x0  }
0x97: {  	[sflag:s18] =	ssyncadd.s32 $0xFFFFFE00  }
0x98: {  	[bflag:$0x0] =	sbarrier.arrive $0xFFFF  }
0x99: {  	[tilespmem:s16], [sflag:$0x2] =	stream.indirect.gather [spmem:s3], $0x80, s2, s17, $0xb8;
	[tilespmem:$0x1A148] =	vst v63  }
0x9a: {  	_ = 	snop  }
0x9b: {  	[tilespmem:s15], [sflag:$0x2] =	stream.indirect.gather [spmem:s3], $0x80, s17, s17, $0xb8;
	[tilespmem:$0x1A148] =	vst v63  }
0x9c: {  	_ = 	snop  }
0x9d: {  	[tilespmem:s13], [sflag:$0x2] =	stream.indirect.gather [spmem:s3], $0x80, s19, s17, $0xb8;
	[tilespmem:$0x1A148] =	vst v63  }
0x9e: {  	_ = 	snop  }
0x9f: {  	[tilespmem:s11], [sflag:$0x2] =	stream.indirect.gather [spmem:s3], $0x80, s20, s17, $0xb8;
	[tilespmem:$0x1A148] =	vst v63  }
0xa0: {  	_ =	swait.ge [sflag:s14], $0x4000  }
0xa1: {  	[sflag:s14] =	ssyncset.done $0x0  }
0xa2: {  	[sflag:s14] =	ssyncadd.s32 $0xFFFFC000  }
0xa3: {  	[hbm4b:s10+s2] =	stream.linear.scatter [tilespmem:s16], [sflag:$0x3], $0x4000, $0x38;
	[tilespmem:$0x1A148] =	vst v63  }
0xa4: {  	_ =	swait.ge [sflag:s14], $0x4000  }
0xa5: {  	[sflag:s14] =	ssyncset.done $0x0  }
0xa6: {  	[sflag:s14] =	ssyncadd.s32 $0xFFFFC000  }
0xa7: {  	[spmem:s9] =	stream.linear.scatter [tilespmem:s15], [sflag:$0x5], $0x4000, $0x38;
	[tilespmem:$0x1A148] =	vst v63  }
0xa8: {  	_ =	swait.ge [sflag:s12], $0x4000  }
0xa9: {  	s29 =	sshll.u32 s25, $0x6;
	s30 =	sshrl.u32 s9, $0x3;
	[sflag:s12] =	ssyncset.done $0x0  }
0xaa: {  	s1 =	sor.u32 $0x1C04, s29;
	s28 =	rddreg [dreg:$0x9];
	[sflag:s12] =	ssyncadd.s32 $0xFFFFC000  }
0xab: {  	[hbm:s28], [sflag:s1] =	dma.local [spmem:s30], $0x800  }
0xac: {  	_ =	swait.ge [sflag:s14], $0x4000  }
0xad: {  	[sflag:s14] =	ssyncset.done $0x0  }
0xae: {  	[sflag:s14] =	ssyncadd.s32 $0xFFFFC000  }
0xaf: {  	[hbm4b:s6+s2] =	stream.linear.scatter [tilespmem:s13], [sflag:$0x3], $0x4000, $0x38;
	[tilespmem:$0x1A148] =	vst v63  }
0xb0: {  	_ =	swait.ge [sflag:s14], $0x4000  }
0xb1: {  	[sflag:s14] =	ssyncset.done $0x0  }
0xb2: {  	[sflag:s14] =	ssyncadd.s32 $0xFFFFC000  }
0xb3: {  	[spmem:s4] =	stream.linear.scatter [tilespmem:s11], [sflag:$0x5], $0x4000, $0x38;
	[tilespmem:$0x1A148] =	vst v63  }
0xb4: {  	_ =	swait.ge [sflag:s12], $0x4000  }
0xb5: {  	[sflag:s12] =	ssyncset.done $0x0  }
0xb6: {  	s31 =	sshrl.u32 s4, $0x3;
	[sflag:s12] =	ssyncadd.s32 $0xFFFFC000  }
0xb7: {  	[hbm:s5], [sflag:s1] =	dma.local [spmem:s31], $0x800  }
0xb8: {  	_ =	swait.ge [sflag:s8], $0x4000  }
0xb9: {  	[sflag:s8] =	ssyncset.done $0x0  }
0xba: {  	[sflag:s8] =	ssyncadd.s32 $0xFFFFC000  }
0xbb: {  	_ =	swait.ge [sflag:s7], $0x800  }
0xbc: {  	[sflag:s7] =	ssyncset.done $0x0  }
0xbd: {  	[sflag:s7] =	ssyncadd.s32 $0xFFFFF800  }
0xbe: {  	_ =	swait.ge [sflag:s8], $0x4000  }
0xbf: {  	[sflag:s8] =	ssyncset.done $0x0  }
0xc0: {  	[sflag:s8] =	ssyncadd.s32 $0xFFFFC000  }
0xc1: {  	_ =	swait.ge [sflag:s7], $0x800  }
0xc2: {  	[sflag:s7] =	ssyncset.done $0x0  }
0xc3: {  	[sflag:s7] =	ssyncadd.s32 $0xFFFFF800  }
0xc4: {  	_ =	sfence.sel $0x180000  }
0xc5: {  	[bflag:$0x0] =	sbarrier.arrive $0xFFFF  }
0xc6: {  	p0 =	sne.s32 s25, $0x0;
	_ =	strace $0x90000047  }
0xc7: {  	s0 =	sadd.s32 @!p0 $0x100000, s24;
	[bflag:$0x2] =	sbarrier.arrive $0xFFFF  }
0xc8: {  	[sflag:s0] =	ssyncadd.tile.s32 @!p0 $0x1;
	_ =	shalt  }
.LBB2_2:
.Ltmp3:
0xc9: {  	(pc) =	sbr.rel .LBB2_5-.Ltmp3, $2  }
0xca: {  	_ =	sdelay $0x2  }
0xcb: {  	s24 =	rddreg [dreg:$0x5];
	s25 =	stileid.u32  }
.Lfunc_end2:
_tile_overlayer_lowered:
.L_overlay_start_2:
0xcc: {  	(tag) =	ssettag $0x2  }
0xcd: {  	s0 =	rddreg [dreg:$0x0];
	s2 =	stileid.u32  }
0xce: {  	s1 =	rddreg [dreg:$0x1];
	p0 =	sne.s32 s2, $0x0  }
0xcf: {  	s3 =	rddreg [dreg:$0x2];
	[bflag:$0x3] =	sbarrier.arrive $0xFFFF;
	s2 =	simm.s32 @!p0 $0x1C05  }
0xd0: {  	[timem:s3], [sflag:s2] =	dma.local @!p0 [hbm:s0], s1  }
0xd1: {  	s0 =	simm.s32 @!p0 $0x5  }
0xd2: {  	_ =	swait.ge @!p0 [sflag:s0], s1  }
0xd3: {  	s1 =	ssub.s32 @!p0 $0x0, s1;
	[sflag:s0] =	ssyncset.done @!p0 $0x0  }
0xd4: {  	[sflag:s0] =	ssyncadd.s32 @!p0 s1  }
0xd5: {  	[bflag:$0x3] =	sbarrier.arrive $0xFFFF  }
0xd6: {  	_ =	shalt  }

</sc_bundles>
